<compile_context>
chip_gen: v7x
topology: tpu7x:2x2x1
jax: 0.10.2.dev20260603
libtpu: 0.0.44.dev20260713+nightly
codegen_flags: <defaults>
</compile_context>

<pallas_src>
import functools

import jax
import jax.numpy as jnp
from jax import lax
from jax.experimental import pallas as pl
from jax.experimental.pallas import tpu as pltpu
from jax.experimental.pallas import tpu_sc as plsc

MASK_VALUE = 119.0
MASK_IDX = 0.0

B, N, D, M = 256, 128, 128, 32
NC, NS = 2, 16
NW = NC * NS
GPW = B // NW
L = 16

G = N * D
GPT = 2
NT = GPW // GPT
TSZ = GPT * G
NBUF = 3

_mesh = plsc.VectorSubcoreMesh(
    core_axis_name="c", subcore_axis_name="s", num_cores=NC, num_subcores=NS
)


@functools.partial(
    pl.kernel,
    out_type=jax.ShapeDtypeStruct((B * G,), jnp.float32),
    mesh=_mesh,
    scratch_types=[
        pltpu.VMEM((GPW, M), jnp.int32),
        [pltpu.VMEM((TSZ,), jnp.float32) for _ in range(NBUF)],
        [pltpu.SemaphoreType.DMA for _ in range(NBUF)],
        [pltpu.SemaphoreType.DMA for _ in range(NBUF)],
    ],
    compiler_params=pltpu.CompilerParams(needs_layout_passes=False),
)
def _mask_kernel(nf_hbm, idx_hbm, out_hbm, idx_raw, bufs, sin, sout):
    wid = lax.axis_index("s") * NC + lax.axis_index("c")
    base = wid * GPW
    woff = base * G

    cin = {}
    for t in range(NBUF):
        cin[t] = pltpu.async_copy(
            nf_hbm.at[pl.ds(woff + t * TSZ, TSZ)], bufs[t], sin[t])

    pltpu.sync_copy(idx_hbm.at[pl.ds(base, GPW)], idx_raw)

    v_mask = jnp.full((L,), MASK_VALUE, jnp.float32)
    v_zero = jnp.full((L,), MASK_IDX, jnp.float32)

    cout = {}
    for t in range(NT):
        s = t % NBUF
        if t >= NBUF:
            cout[t - NBUF].wait()
            cin[t] = pltpu.async_copy(
                nf_hbm.at[pl.ds(woff + t * TSZ, TSZ)], bufs[s], sin[s])
        cin[t].wait()
        for gi in range(GPT):
            g = t * GPT + gi
            for j in range(M // L):
                r = idx_raw[g, pl.ds(j * L, L)]
                flat = r * D + (gi * G)
                plsc.store_scatter(bufs[s], [flat], v_mask)
                plsc.store_scatter(bufs[s], [flat + 1], v_zero)
        cout[t] = pltpu.async_copy(
            bufs[s], out_hbm.at[pl.ds(woff + t * TSZ, TSZ)], sout[s])
    for t in range(NT - NBUF, NT):
        if t >= 0:
            cout[t].wait()


def kernel(node_features, adjacency, nodes_to_mask):
    del adjacency
    flat = node_features.reshape(B * G)
    return _mask_kernel(flat, nodes_to_mask).reshape(B, N, D)

# --- scband reference (transcript-rebuilt; emitter-appended) ---
"""Pipeline reference for scband-node-masker-4037269258948 (READ-ONLY COPY).

The authoritative reference and input builder live on the scoring server;
editing this copy changes nothing except your own understanding.
"""

import jax, jax.numpy as jnp
import numpy as np

MASK_VALUE = 119.0  # NodeType.Mask.value surrogate
MASK_IDX = 0.0      # mask_idx from init

def setup_inputs(seed: int = 0) -> dict:
    key = jax.random.key(seed)
    k1, k2, k3 = jax.random.split(key, 3)
    B, N, D = 256, 128, 128
    M = int(N * 0.25)
    node_features = jax.random.normal(k1, (B, N, D), dtype=jnp.float32)
    adjacency = jax.random.uniform(k2, (B, N, N), dtype=jnp.float32)
    nodes_to_mask = jax.random.randint(k3, (B, M), 0, N, dtype=jnp.int32)
    return {"node_features": node_features, "adjacency": adjacency, "nodes_to_mask": nodes_to_mask}

def reference(node_features, adjacency, nodes_to_mask):
    # Faithful translation of NodeMasker.forward over a batch of dense graphs.
    # For each graph: clone node features, overwrite column 0 of masked nodes
    # with NodeType.Mask.value and column 1 with mask_idx. Adjacency unchanged.
    B = node_features.shape[0]
    bidx = jnp.arange(B)[:, None]  # [B, 1] broadcast against [B, M]
    nf = node_features.at[bidx, nodes_to_mask, 0].set(MASK_VALUE)
    nf = nf.at[bidx, nodes_to_mask, 1].set(MASK_IDX)
    return nf

if __name__ == "__main__":
    import jax
    _d = setup_inputs()
    print(jax.jit(kernel)(*tuple(_d.values())))

</pallas_src>

<mosaic_0001>
#map = affine_map<(d0, d1) -> (0)>
#map1 = affine_map<(d0, d1) -> (0, 0)>
module attributes {stable_mosaic.version = 14 : i64} {
  func.func @_mask_kernel(%arg0: i32, %arg1: i32, %arg2: memref<4194304xf32, #tpu.memory_space<hbm>>, %arg3: memref<256x32xi32, #tpu.memory_space<hbm>>, %arg4: memref<4194304xf32, #tpu.memory_space<hbm>>, %arg5: memref<8x32xi32, #tpu.memory_space<vmem>>, %arg6: memref<32768xf32, #tpu.memory_space<vmem>>, %arg7: memref<32768xf32, #tpu.memory_space<vmem>>, %arg8: memref<32768xf32, #tpu.memory_space<vmem>>, %arg9: memref<!tpu.dma_semaphore, #tpu.memory_space<semaphore_mem>>, %arg10: memref<!tpu.dma_semaphore, #tpu.memory_space<semaphore_mem>>, %arg11: memref<!tpu.dma_semaphore, #tpu.memory_space<semaphore_mem>>, %arg12: memref<!tpu.dma_semaphore, #tpu.memory_space<semaphore_mem>>, %arg13: memref<!tpu.dma_semaphore, #tpu.memory_space<semaphore_mem>>, %arg14: memref<!tpu.dma_semaphore, #tpu.memory_space<semaphore_mem>>) attributes {dimension_semantics = [#tpu.dimension_semantics<core_parallel>, #tpu.dimension_semantics<subcore_parallel>], iteration_bounds = array<i64: 2, 16>, scalar_prefetch = 0 : i64, scratch_operands = 10 : i64, tpu.core_type = #tpu.core_type<sc_vector_subcore>, window_params = [{transform_indices = #map}, {transform_indices = #map1}, {transform_indices = #map}]} {
    %mul3A = arith.constant 2 : i32
    %mul3A_0 = arith.muli %arg1, %mul3A : i32
    %add3A = arith.addi %mul3A_0, %arg0 : i32
    %mul3A_1 = arith.constant 8 : i32
    %mul3A_2 = arith.muli %add3A, %mul3A_1 : i32
    %mul3A_3 = arith.constant 16384 : i32
    %mul3A_4 = arith.muli %mul3A_2, %mul3A_3 : i32
    %add3A_5 = arith.constant 0 : i32
    %add3A_6 = arith.addi %mul3A_4, %add3A_5 : i32
    %dma_start3A = tpu.memref_slice %arg2[%add3A_6] : memref<4194304xf32, #tpu.memory_space<hbm>> -> memref<32768xf32, #tpu.memory_space<hbm>>
    %dma_start3A_7 = tpu.memref_slice %arg2[%add3A_6] : memref<4194304xf32, #tpu.memory_space<hbm>> -> memref<32768xf32, #tpu.memory_space<hbm>>
    tpu.enqueue_dma source(%dma_start3A_7 : memref<32768xf32, #tpu.memory_space<hbm>>) target(%arg6 : memref<32768xf32, #tpu.memory_space<vmem>>) target_semaphore(%arg9 : memref<!tpu.dma_semaphore, #tpu.memory_space<semaphore_mem>>)
    %add3A_8 = arith.constant 32768 : i32
    %add3A_9 = arith.addi %mul3A_4, %add3A_8 : i32
    %dma_start3A_10 = tpu.memref_slice %arg2[%add3A_9] : memref<4194304xf32, #tpu.memory_space<hbm>> -> memref<32768xf32, #tpu.memory_space<hbm>>
    %dma_start3A_11 = tpu.memref_slice %arg2[%add3A_9] : memref<4194304xf32, #tpu.memory_space<hbm>> -> memref<32768xf32, #tpu.memory_space<hbm>>
    tpu.enqueue_dma source(%dma_start3A_11 : memref<32768xf32, #tpu.memory_space<hbm>>) target(%arg7 : memref<32768xf32, #tpu.memory_space<vmem>>) target_semaphore(%arg10 : memref<!tpu.dma_semaphore, #tpu.memory_space<semaphore_mem>>)
    %add3A_12 = arith.constant 65536 : i32
    %add3A_13 = arith.addi %mul3A_4, %add3A_12 : i32
    %dma_start3A_14 = tpu.memref_slice %arg2[%add3A_13] : memref<4194304xf32, #tpu.memory_space<hbm>> -> memref<32768xf32, #tpu.memory_space<hbm>>
    %dma_start3A_15 = tpu.memref_slice %arg2[%add3A_13] : memref<4194304xf32, #tpu.memory_space<hbm>> -> memref<32768xf32, #tpu.memory_space<hbm>>
    tpu.enqueue_dma source(%dma_start3A_15 : memref<32768xf32, #tpu.memory_space<hbm>>) target(%arg8 : memref<32768xf32, #tpu.memory_space<vmem>>) target_semaphore(%arg11 : memref<!tpu.dma_semaphore, #tpu.memory_space<semaphore_mem>>)
    "tpu.region"() ({
      %run_scoped3A = tpu.sem_alloc : memref<!tpu.dma_semaphore, #tpu.memory_space<semaphore_mem>>
      %dma_start3A_261 = arith.constant 0 : i32
      %dma_start3A_262 = tpu.memref_slice %arg3[%mul3A_2, %dma_start3A_261] : memref<256x32xi32, #tpu.memory_space<hbm>> -> memref<8x32xi32, #tpu.memory_space<hbm>>
      %dma_start3A_263 = arith.constant 0 : i32
      %dma_start3A_264 = tpu.memref_slice %arg3[%mul3A_2, %dma_start3A_263] : memref<256x32xi32, #tpu.memory_space<hbm>> -> memref<8x32xi32, #tpu.memory_space<hbm>>
      tpu.enqueue_dma source(%dma_start3A_264 : memref<8x32xi32, #tpu.memory_space<hbm>>) target(%arg5 : memref<8x32xi32, #tpu.memory_space<vmem>>) target_semaphore(%run_scoped3A : memref<!tpu.dma_semaphore, #tpu.memory_space<semaphore_mem>>)
      %dma_wait3A_265 = arith.constant 0 : i32
      %dma_wait3A_266 = tpu.memref_slice %arg3[%mul3A_2, %dma_wait3A_265] : memref<256x32xi32, #tpu.memory_space<hbm>> -> memref<8x32xi32, #tpu.memory_space<hbm>>
      %dma_wait3A_267 = arith.constant 0 : i32
      %dma_wait3A_268 = tpu.memref_slice %arg3[%mul3A_2, %dma_wait3A_267] : memref<256x32xi32, #tpu.memory_space<hbm>> -> memref<8x32xi32, #tpu.memory_space<hbm>>
      tpu.wait_dma2 semaphore(%run_scoped3A : memref<!tpu.dma_semaphore, #tpu.memory_space<semaphore_mem>>) src(%dma_wait3A_268 : memref<8x32xi32, #tpu.memory_space<hbm>>) dst(%arg5 : memref<8x32xi32, #tpu.memory_space<vmem>>)
      tpu.yield
    }) : () -> ()
    %broadcast_in_dim3A = arith.constant 1.190000e+02 : f32
    %broadcast_in_dim3A_16 = vector.broadcast %broadcast_in_dim3A : f32 to vector<16xf32>
    %broadcast_in_dim3A_17 = arith.constant 0.000000e+00 : f32
    %broadcast_in_dim3A_18 = vector.broadcast %broadcast_in_dim3A_17 : f32 to vector<16xf32>
    %dma_wait3A = tpu.memref_slice %arg2[%add3A_6] : memref<4194304xf32, #tpu.memory_space<hbm>> -> memref<32768xf32, #tpu.memory_space<hbm>>
    %dma_wait3A_19 = tpu.memref_slice %arg2[%add3A_6] : memref<4194304xf32, #tpu.memory_space<hbm>> -> memref<32768xf32, #tpu.memory_space<hbm>>
    tpu.wait_dma2 semaphore(%arg9 : memref<!tpu.dma_semaphore, #tpu.memory_space<semaphore_mem>>) src(%dma_wait3A_19 : memref<32768xf32, #tpu.memory_space<hbm>>) dst(%arg6 : memref<32768xf32, #tpu.memory_space<vmem>>)
    %get3A = arith.constant 0 : i32
    %get3A_20 = arith.index_cast %get3A : i32 to index
    %get3A_21 = arith.constant 0 : index
    %get3A_22 = tpu.vector_load %arg5[%get3A_20, %get3A_21] {strides = array<i32>} : memref<8x32xi32, #tpu.memory_space<vmem>>, vector<16xi32>,
    %mul3A_23 = arith.constant 128 : i32
    %mul3A_24 = vector.broadcast %mul3A_23 : i32 to vector<16xi32>
    %mul3A_25 = arith.muli %get3A_22, %mul3A_24 : vector<16xi32>
    %add3A_26 = arith.constant 0 : i32
    %add3A_27 = vector.broadcast %add3A_26 : i32 to vector<16xi32>
    %add3A_28 = arith.addi %mul3A_25, %add3A_27 : vector<16xi32>
    tpu.vector_store_idx %arg6[%add3A_28], %broadcast_in_dim3A_16 : memref<32768xf32, #tpu.memory_space<vmem>>[vector<16xi32>], vector<16xf32>,
    %add3A_29 = arith.constant 1 : i32
    %add3A_30 = vector.broadcast %add3A_29 : i32 to vector<16xi32>
    %add3A_31 = arith.addi %add3A_28, %add3A_30 : vector<16xi32>
    tpu.vector_store_idx %arg6[%add3A_31], %broadcast_in_dim3A_18 : memref<32768xf32, #tpu.memory_space<vmem>>[vector<16xi32>], vector<16xf32>,
    %get3A_32 = arith.constant 0 : i32
    %get3A_33 = arith.index_cast %get3A_32 : i32 to index
    %get3A_34 = arith.constant 16 : index
    %get3A_35 = tpu.vector_load %arg5[%get3A_33, %get3A_34] {strides = array<i32>} : memref<8x32xi32, #tpu.memory_space<vmem>>, vector<16xi32>,
    %mul3A_36 = arith.constant 128 : i32
    %mul3A_37 = vector.broadcast %mul3A_36 : i32 to vector<16xi32>
    %mul3A_38 = arith.muli %get3A_35, %mul3A_37 : vector<16xi32>
    %add3A_39 = arith.constant 0 : i32
    %add3A_40 = vector.broadcast %add3A_39 : i32 to vector<16xi32>
    %add3A_41 = arith.addi %mul3A_38, %add3A_40 : vector<16xi32>
    tpu.vector_store_idx %arg6[%add3A_41], %broadcast_in_dim3A_16 : memref<32768xf32, #tpu.memory_space<vmem>>[vector<16xi32>], vector<16xf32>,
    %add3A_42 = arith.constant 1 : i32
    %add3A_43 = vector.broadcast %add3A_42 : i32 to vector<16xi32>
    %add3A_44 = arith.addi %add3A_41, %add3A_43 : vector<16xi32>
    tpu.vector_store_idx %arg6[%add3A_44], %broadcast_in_dim3A_18 : memref<32768xf32, #tpu.memory_space<vmem>>[vector<16xi32>], vector<16xf32>,
    %get3A_45 = arith.constant 1 : i32
    %get3A_46 = arith.index_cast %get3A_45 : i32 to index
    %get3A_47 = arith.constant 0 : index
    %get3A_48 = tpu.vector_load %arg5[%get3A_46, %get3A_47] {strides = array<i32>} : memref<8x32xi32, #tpu.memory_space<vmem>>, vector<16xi32>,
    %mul3A_49 = arith.constant 128 : i32
    %mul3A_50 = vector.broadcast %mul3A_49 : i32 to vector<16xi32>
    %mul3A_51 = arith.muli %get3A_48, %mul3A_50 : vector<16xi32>
    %add3A_52 = arith.constant 16384 : i32
    %add3A_53 = vector.broadcast %add3A_52 : i32 to vector<16xi32>
    %add3A_54 = arith.addi %mul3A_51, %add3A_53 : vector<16xi32>
    tpu.vector_store_idx %arg6[%add3A_54], %broadcast_in_dim3A_16 : memref<32768xf32, #tpu.memory_space<vmem>>[vector<16xi32>], vector<16xf32>,
    %add3A_55 = arith.constant 1 : i32
    %add3A_56 = vector.broadcast %add3A_55 : i32 to vector<16xi32>
    %add3A_57 = arith.addi %add3A_54, %add3A_56 : vector<16xi32>
    tpu.vector_store_idx %arg6[%add3A_57], %broadcast_in_dim3A_18 : memref<32768xf32, #tpu.memory_space<vmem>>[vector<16xi32>], vector<16xf32>,
    %get3A_58 = arith.constant 1 : i32
    %get3A_59 = arith.index_cast %get3A_58 : i32 to index
    %get3A_60 = arith.constant 16 : index
    %get3A_61 = tpu.vector_load %arg5[%get3A_59, %get3A_60] {strides = array<i32>} : memref<8x32xi32, #tpu.memory_space<vmem>>, vector<16xi32>,
    %mul3A_62 = arith.constant 128 : i32
    %mul3A_63 = vector.broadcast %mul3A_62 : i32 to vector<16xi32>
    %mul3A_64 = arith.muli %get3A_61, %mul3A_63 : vector<16xi32>
    %add3A_65 = arith.constant 16384 : i32
    %add3A_66 = vector.broadcast %add3A_65 : i32 to vector<16xi32>
    %add3A_67 = arith.addi %mul3A_64, %add3A_66 : vector<16xi32>
    tpu.vector_store_idx %arg6[%add3A_67], %broadcast_in_dim3A_16 : memref<32768xf32, #tpu.memory_space<vmem>>[vector<16xi32>], vector<16xf32>,
    %add3A_68 = arith.constant 1 : i32
    %add3A_69 = vector.broadcast %add3A_68 : i32 to vector<16xi32>
    %add3A_70 = arith.addi %add3A_67, %add3A_69 : vector<16xi32>
    tpu.vector_store_idx %arg6[%add3A_70], %broadcast_in_dim3A_18 : memref<32768xf32, #tpu.memory_space<vmem>>[vector<16xi32>], vector<16xf32>,
    %add3A_71 = arith.constant 0 : i32
    %add3A_72 = arith.addi %mul3A_4, %add3A_71 : i32
    %dma_start3A_73 = tpu.memref_slice %arg4[%add3A_72] : memref<4194304xf32, #tpu.memory_space<hbm>> -> memref<32768xf32, #tpu.memory_space<hbm>>
    %dma_start3A_74 = tpu.memref_slice %arg4[%add3A_72] : memref<4194304xf32, #tpu.memory_space<hbm>> -> memref<32768xf32, #tpu.memory_space<hbm>>
    tpu.enqueue_dma source(%arg6 : memref<32768xf32, #tpu.memory_space<vmem>>) target(%dma_start3A_74 : memref<32768xf32, #tpu.memory_space<hbm>>) target_semaphore(%arg12 : memref<!tpu.dma_semaphore, #tpu.memory_space<semaphore_mem>>)
    %dma_wait3A_75 = tpu.memref_slice %arg2[%add3A_9] : memref<4194304xf32, #tpu.memory_space<hbm>> -> memref<32768xf32, #tpu.memory_space<hbm>>
    %dma_wait3A_76 = tpu.memref_slice %arg2[%add3A_9] : memref<4194304xf32, #tpu.memory_space<hbm>> -> memref<32768xf32, #tpu.memory_space<hbm>>
    tpu.wait_dma2 semaphore(%arg10 : memref<!tpu.dma_semaphore, #tpu.memory_space<semaphore_mem>>) src(%dma_wait3A_76 : memref<32768xf32, #tpu.memory_space<hbm>>) dst(%arg7 : memref<32768xf32, #tpu.memory_space<vmem>>)
    %get3A_77 = arith.constant 2 : i32
    %get3A_78 = arith.index_cast %get3A_77 : i32 to index
    %get3A_79 = arith.constant 0 : index
    %get3A_80 = tpu.vector_load %arg5[%get3A_78, %get3A_79] {strides = array<i32>} : memref<8x32xi32, #tpu.memory_space<vmem>>, vector<16xi32>,
    %mul3A_81 = arith.constant 128 : i32
    %mul3A_82 = vector.broadcast %mul3A_81 : i32 to vector<16xi32>
    %mul3A_83 = arith.muli %get3A_80, %mul3A_82 : vector<16xi32>
    %add3A_84 = arith.constant 0 : i32
    %add3A_85 = vector.broadcast %add3A_84 : i32 to vector<16xi32>
    %add3A_86 = arith.addi %mul3A_83, %add3A_85 : vector<16xi32>
    tpu.vector_store_idx %arg7[%add3A_86], %broadcast_in_dim3A_16 : memref<32768xf32, #tpu.memory_space<vmem>>[vector<16xi32>], vector<16xf32>,
    %add3A_87 = arith.constant 1 : i32
    %add3A_88 = vector.broadcast %add3A_87 : i32 to vector<16xi32>
    %add3A_89 = arith.addi %add3A_86, %add3A_88 : vector<16xi32>
    tpu.vector_store_idx %arg7[%add3A_89], %broadcast_in_dim3A_18 : memref<32768xf32, #tpu.memory_space<vmem>>[vector<16xi32>], vector<16xf32>,
    %get3A_90 = arith.constant 2 : i32
    %get3A_91 = arith.index_cast %get3A_90 : i32 to index
    %get3A_92 = arith.constant 16 : index
    %get3A_93 = tpu.vector_load %arg5[%get3A_91, %get3A_92] {strides = array<i32>} : memref<8x32xi32, #tpu.memory_space<vmem>>, vector<16xi32>,
    %mul3A_94 = arith.constant 128 : i32
    %mul3A_95 = vector.broadcast %mul3A_94 : i32 to vector<16xi32>
    %mul3A_96 = arith.muli %get3A_93, %mul3A_95 : vector<16xi32>
    %add3A_97 = arith.constant 0 : i32
    %add3A_98 = vector.broadcast %add3A_97 : i32 to vector<16xi32>
    %add3A_99 = arith.addi %mul3A_96, %add3A_98 : vector<16xi32>
    tpu.vector_store_idx %arg7[%add3A_99], %broadcast_in_dim3A_16 : memref<32768xf32, #tpu.memory_space<vmem>>[vector<16xi32>], vector<16xf32>,
    %add3A_100 = arith.constant 1 : i32
    %add3A_101 = vector.broadcast %add3A_100 : i32 to vector<16xi32>
    %add3A_102 = arith.addi %add3A_99, %add3A_101 : vector<16xi32>
    tpu.vector_store_idx %arg7[%add3A_102], %broadcast_in_dim3A_18 : memref<32768xf32, #tpu.memory_space<vmem>>[vector<16xi32>], vector<16xf32>,
    %get3A_103 = arith.constant 3 : i32
    %get3A_104 = arith.index_cast %get3A_103 : i32 to index
    %get3A_105 = arith.constant 0 : index
    %get3A_106 = tpu.vector_load %arg5[%get3A_104, %get3A_105] {strides = array<i32>} : memref<8x32xi32, #tpu.memory_space<vmem>>, vector<16xi32>,
    %mul3A_107 = arith.constant 128 : i32
    %mul3A_108 = vector.broadcast %mul3A_107 : i32 to vector<16xi32>
    %mul3A_109 = arith.muli %get3A_106, %mul3A_108 : vector<16xi32>
    %add3A_110 = arith.constant 16384 : i32
    %add3A_111 = vector.broadcast %add3A_110 : i32 to vector<16xi32>
    %add3A_112 = arith.addi %mul3A_109, %add3A_111 : vector<16xi32>
    tpu.vector_store_idx %arg7[%add3A_112], %broadcast_in_dim3A_16 : memref<32768xf32, #tpu.memory_space<vmem>>[vector<16xi32>], vector<16xf32>,
    %add3A_113 = arith.constant 1 : i32
    %add3A_114 = vector.broadcast %add3A_113 : i32 to vector<16xi32>
    %add3A_115 = arith.addi %add3A_112, %add3A_114 : vector<16xi32>
    tpu.vector_store_idx %arg7[%add3A_115], %broadcast_in_dim3A_18 : memref<32768xf32, #tpu.memory_space<vmem>>[vector<16xi32>], vector<16xf32>,
    %get3A_116 = arith.constant 3 : i32
    %get3A_117 = arith.index_cast %get3A_116 : i32 to index
    %get3A_118 = arith.constant 16 : index
    %get3A_119 = tpu.vector_load %arg5[%get3A_117, %get3A_118] {strides = array<i32>} : memref<8x32xi32, #tpu.memory_space<vmem>>, vector<16xi32>,
    %mul3A_120 = arith.constant 128 : i32
    %mul3A_121 = vector.broadcast %mul3A_120 : i32 to vector<16xi32>
    %mul3A_122 = arith.muli %get3A_119, %mul3A_121 : vector<16xi32>
    %add3A_123 = arith.constant 16384 : i32
    %add3A_124 = vector.broadcast %add3A_123 : i32 to vector<16xi32>
    %add3A_125 = arith.addi %mul3A_122, %add3A_124 : vector<16xi32>
    tpu.vector_store_idx %arg7[%add3A_125], %broadcast_in_dim3A_16 : memref<32768xf32, #tpu.memory_space<vmem>>[vector<16xi32>], vector<16xf32>,
    %add3A_126 = arith.constant 1 : i32
    %add3A_127 = vector.broadcast %add3A_126 : i32 to vector<16xi32>
    %add3A_128 = arith.addi %add3A_125, %add3A_127 : vector<16xi32>
    tpu.vector_store_idx %arg7[%add3A_128], %broadcast_in_dim3A_18 : memref<32768xf32, #tpu.memory_space<vmem>>[vector<16xi32>], vector<16xf32>,
    %add3A_129 = arith.constant 32768 : i32
    %add3A_130 = arith.addi %mul3A_4, %add3A_129 : i32
    %dma_start3A_131 = tpu.memref_slice %arg4[%add3A_130] : memref<4194304xf32, #tpu.memory_space<hbm>> -> memref<32768xf32, #tpu.memory_space<hbm>>
    %dma_start3A_132 = tpu.memref_slice %arg4[%add3A_130] : memref<4194304xf32, #tpu.memory_space<hbm>> -> memref<32768xf32, #tpu.memory_space<hbm>>
    tpu.enqueue_dma source(%arg7 : memref<32768xf32, #tpu.memory_space<vmem>>) target(%dma_start3A_132 : memref<32768xf32, #tpu.memory_space<hbm>>) target_semaphore(%arg13 : memref<!tpu.dma_semaphore, #tpu.memory_space<semaphore_mem>>)
    %dma_wait3A_133 = tpu.memref_slice %arg2[%add3A_13] : memref<4194304xf32, #tpu.memory_space<hbm>> -> memref<32768xf32, #tpu.memory_space<hbm>>
    %dma_wait3A_134 = tpu.memref_slice %arg2[%add3A_13] : memref<4194304xf32, #tpu.memory_space<hbm>> -> memref<32768xf32, #tpu.memory_space<hbm>>
    tpu.wait_dma2 semaphore(%arg11 : memref<!tpu.dma_semaphore, #tpu.memory_space<semaphore_mem>>) src(%dma_wait3A_134 : memref<32768xf32, #tpu.memory_space<hbm>>) dst(%arg8 : memref<32768xf32, #tpu.memory_space<vmem>>)
    %get3A_135 = arith.constant 4 : i32
    %get3A_136 = arith.index_cast %get3A_135 : i32 to index
    %get3A_137 = arith.constant 0 : index
    %get3A_138 = tpu.vector_load %arg5[%get3A_136, %get3A_137] {strides = array<i32>} : memref<8x32xi32, #tpu.memory_space<vmem>>, vector<16xi32>,
    %mul3A_139 = arith.constant 128 : i32
    %mul3A_140 = vector.broadcast %mul3A_139 : i32 to vector<16xi32>
    %mul3A_141 = arith.muli %get3A_138, %mul3A_140 : vector<16xi32>
    %add3A_142 = arith.constant 0 : i32
    %add3A_143 = vector.broadcast %add3A_142 : i32 to vector<16xi32>
    %add3A_144 = arith.addi %mul3A_141, %add3A_143 : vector<16xi32>
    tpu.vector_store_idx %arg8[%add3A_144], %broadcast_in_dim3A_16 : memref<32768xf32, #tpu.memory_space<vmem>>[vector<16xi32>], vector<16xf32>,
    %add3A_145 = arith.constant 1 : i32
    %add3A_146 = vector.broadcast %add3A_145 : i32 to vector<16xi32>
    %add3A_147 = arith.addi %add3A_144, %add3A_146 : vector<16xi32>
    tpu.vector_store_idx %arg8[%add3A_147], %broadcast_in_dim3A_18 : memref<32768xf32, #tpu.memory_space<vmem>>[vector<16xi32>], vector<16xf32>,
    %get3A_148 = arith.constant 4 : i32
    %get3A_149 = arith.index_cast %get3A_148 : i32 to index
    %get3A_150 = arith.constant 16 : index
    %get3A_151 = tpu.vector_load %arg5[%get3A_149, %get3A_150] {strides = array<i32>} : memref<8x32xi32, #tpu.memory_space<vmem>>, vector<16xi32>,
    %mul3A_152 = arith.constant 128 : i32
    %mul3A_153 = vector.broadcast %mul3A_152 : i32 to vector<16xi32>
    %mul3A_154 = arith.muli %get3A_151, %mul3A_153 : vector<16xi32>
    %add3A_155 = arith.constant 0 : i32
    %add3A_156 = vector.broadcast %add3A_155 : i32 to vector<16xi32>
    %add3A_157 = arith.addi %mul3A_154, %add3A_156 : vector<16xi32>
    tpu.vector_store_idx %arg8[%add3A_157], %broadcast_in_dim3A_16 : memref<32768xf32, #tpu.memory_space<vmem>>[vector<16xi32>], vector<16xf32>,
    %add3A_158 = arith.constant 1 : i32
    %add3A_159 = vector.broadcast %add3A_158 : i32 to vector<16xi32>
    %add3A_160 = arith.addi %add3A_157, %add3A_159 : vector<16xi32>
    tpu.vector_store_idx %arg8[%add3A_160], %broadcast_in_dim3A_18 : memref<32768xf32, #tpu.memory_space<vmem>>[vector<16xi32>], vector<16xf32>,
    %get3A_161 = arith.constant 5 : i32
    %get3A_162 = arith.index_cast %get3A_161 : i32 to index
    %get3A_163 = arith.constant 0 : index
    %get3A_164 = tpu.vector_load %arg5[%get3A_162, %get3A_163] {strides = array<i32>} : memref<8x32xi32, #tpu.memory_space<vmem>>, vector<16xi32>,
    %mul3A_165 = arith.constant 128 : i32
    %mul3A_166 = vector.broadcast %mul3A_165 : i32 to vector<16xi32>
    %mul3A_167 = arith.muli %get3A_164, %mul3A_166 : vector<16xi32>
    %add3A_168 = arith.constant 16384 : i32
    %add3A_169 = vector.broadcast %add3A_168 : i32 to vector<16xi32>
    %add3A_170 = arith.addi %mul3A_167, %add3A_169 : vector<16xi32>
    tpu.vector_store_idx %arg8[%add3A_170], %broadcast_in_dim3A_16 : memref<32768xf32, #tpu.memory_space<vmem>>[vector<16xi32>], vector<16xf32>,
    %add3A_171 = arith.constant 1 : i32
    %add3A_172 = vector.broadcast %add3A_171 : i32 to vector<16xi32>
    %add3A_173 = arith.addi %add3A_170, %add3A_172 : vector<16xi32>
    tpu.vector_store_idx %arg8[%add3A_173], %broadcast_in_dim3A_18 : memref<32768xf32, #tpu.memory_space<vmem>>[vector<16xi32>], vector<16xf32>,
    %get3A_174 = arith.constant 5 : i32
    %get3A_175 = arith.index_cast %get3A_174 : i32 to index
    %get3A_176 = arith.constant 16 : index
    %get3A_177 = tpu.vector_load %arg5[%get3A_175, %get3A_176] {strides = array<i32>} : memref<8x32xi32, #tpu.memory_space<vmem>>, vector<16xi32>,
    %mul3A_178 = arith.constant 128 : i32
    %mul3A_179 = vector.broadcast %mul3A_178 : i32 to vector<16xi32>
    %mul3A_180 = arith.muli %get3A_177, %mul3A_179 : vector<16xi32>
    %add3A_181 = arith.constant 16384 : i32
    %add3A_182 = vector.broadcast %add3A_181 : i32 to vector<16xi32>
    %add3A_183 = arith.addi %mul3A_180, %add3A_182 : vector<16xi32>
    tpu.vector_store_idx %arg8[%add3A_183], %broadcast_in_dim3A_16 : memref<32768xf32, #tpu.memory_space<vmem>>[vector<16xi32>], vector<16xf32>,
    %add3A_184 = arith.constant 1 : i32
    %add3A_185 = vector.broadcast %add3A_184 : i32 to vector<16xi32>
    %add3A_186 = arith.addi %add3A_183, %add3A_185 : vector<16xi32>
    tpu.vector_store_idx %arg8[%add3A_186], %broadcast_in_dim3A_18 : memref<32768xf32, #tpu.memory_space<vmem>>[vector<16xi32>], vector<16xf32>,
    %add3A_187 = arith.constant 65536 : i32
    %add3A_188 = arith.addi %mul3A_4, %add3A_187 : i32
    %dma_start3A_189 = tpu.memref_slice %arg4[%add3A_188] : memref<4194304xf32, #tpu.memory_space<hbm>> -> memref<32768xf32, #tpu.memory_space<hbm>>
    %dma_start3A_190 = tpu.memref_slice %arg4[%add3A_188] : memref<4194304xf32, #tpu.memory_space<hbm>> -> memref<32768xf32, #tpu.memory_space<hbm>>
    tpu.enqueue_dma source(%arg8 : memref<32768xf32, #tpu.memory_space<vmem>>) target(%dma_start3A_190 : memref<32768xf32, #tpu.memory_space<hbm>>) target_semaphore(%arg14 : memref<!tpu.dma_semaphore, #tpu.memory_space<semaphore_mem>>)
    %dma_wait3A_191 = tpu.memref_slice %arg4[%add3A_72] : memref<4194304xf32, #tpu.memory_space<hbm>> -> memref<32768xf32, #tpu.memory_space<hbm>>
    %dma_wait3A_192 = tpu.memref_slice %arg4[%add3A_72] : memref<4194304xf32, #tpu.memory_space<hbm>> -> memref<32768xf32, #tpu.memory_space<hbm>>
    tpu.wait_dma2 semaphore(%arg12 : memref<!tpu.dma_semaphore, #tpu.memory_space<semaphore_mem>>) src(%arg6 : memref<32768xf32, #tpu.memory_space<vmem>>) dst(%dma_wait3A_192 : memref<32768xf32, #tpu.memory_space<hbm>>)
    %add3A_193 = arith.constant 98304 : i32
    %add3A_194 = arith.addi %mul3A_4, %add3A_193 : i32
    %dma_start3A_195 = tpu.memref_slice %arg2[%add3A_194] : memref<4194304xf32, #tpu.memory_space<hbm>> -> memref<32768xf32, #tpu.memory_space<hbm>>
    %dma_start3A_196 = tpu.memref_slice %arg2[%add3A_194] : memref<4194304xf32, #tpu.memory_space<hbm>> -> memref<32768xf32, #tpu.memory_space<hbm>>
    tpu.enqueue_dma source(%dma_start3A_196 : memref<32768xf32, #tpu.memory_space<hbm>>) target(%arg6 : memref<32768xf32, #tpu.memory_space<vmem>>) target_semaphore(%arg9 : memref<!tpu.dma_semaphore, #tpu.memory_space<semaphore_mem>>)
    %dma_wait3A_197 = tpu.memref_slice %arg2[%add3A_194] : memref<4194304xf32, #tpu.memory_space<hbm>> -> memref<32768xf32, #tpu.memory_space<hbm>>
    %dma_wait3A_198 = tpu.memref_slice %arg2[%add3A_194] : memref<4194304xf32, #tpu.memory_space<hbm>> -> memref<32768xf32, #tpu.memory_space<hbm>>
    tpu.wait_dma2 semaphore(%arg9 : memref<!tpu.dma_semaphore, #tpu.memory_space<semaphore_mem>>) src(%dma_wait3A_198 : memref<32768xf32, #tpu.memory_space<hbm>>) dst(%arg6 : memref<32768xf32, #tpu.memory_space<vmem>>)
    %get3A_199 = arith.constant 6 : i32
    %get3A_200 = arith.index_cast %get3A_199 : i32 to index
    %get3A_201 = arith.constant 0 : index
    %get3A_202 = tpu.vector_load %arg5[%get3A_200, %get3A_201] {strides = array<i32>} : memref<8x32xi32, #tpu.memory_space<vmem>>, vector<16xi32>,
    %mul3A_203 = arith.constant 128 : i32
    %mul3A_204 = vector.broadcast %mul3A_203 : i32 to vector<16xi32>
    %mul3A_205 = arith.muli %get3A_202, %mul3A_204 : vector<16xi32>
    %add3A_206 = arith.constant 0 : i32
    %add3A_207 = vector.broadcast %add3A_206 : i32 to vector<16xi32>
    %add3A_208 = arith.addi %mul3A_205, %add3A_207 : vector<16xi32>
    tpu.vector_store_idx %arg6[%add3A_208], %broadcast_in_dim3A_16 : memref<32768xf32, #tpu.memory_space<vmem>>[vector<16xi32>], vector<16xf32>,
    %add3A_209 = arith.constant 1 : i32
    %add3A_210 = vector.broadcast %add3A_209 : i32 to vector<16xi32>
    %add3A_211 = arith.addi %add3A_208, %add3A_210 : vector<16xi32>
    tpu.vector_store_idx %arg6[%add3A_211], %broadcast_in_dim3A_18 : memref<32768xf32, #tpu.memory_space<vmem>>[vector<16xi32>], vector<16xf32>,
    %get3A_212 = arith.constant 6 : i32
    %get3A_213 = arith.index_cast %get3A_212 : i32 to index
    %get3A_214 = arith.constant 16 : index
    %get3A_215 = tpu.vector_load %arg5[%get3A_213, %get3A_214] {strides = array<i32>} : memref<8x32xi32, #tpu.memory_space<vmem>>, vector<16xi32>,
    %mul3A_216 = arith.constant 128 : i32
    %mul3A_217 = vector.broadcast %mul3A_216 : i32 to vector<16xi32>
    %mul3A_218 = arith.muli %get3A_215, %mul3A_217 : vector<16xi32>
    %add3A_219 = arith.constant 0 : i32
    %add3A_220 = vector.broadcast %add3A_219 : i32 to vector<16xi32>
    %add3A_221 = arith.addi %mul3A_218, %add3A_220 : vector<16xi32>
    tpu.vector_store_idx %arg6[%add3A_221], %broadcast_in_dim3A_16 : memref<32768xf32, #tpu.memory_space<vmem>>[vector<16xi32>], vector<16xf32>,
    %add3A_222 = arith.constant 1 : i32
    %add3A_223 = vector.broadcast %add3A_222 : i32 to vector<16xi32>
    %add3A_224 = arith.addi %add3A_221, %add3A_223 : vector<16xi32>
    tpu.vector_store_idx %arg6[%add3A_224], %broadcast_in_dim3A_18 : memref<32768xf32, #tpu.memory_space<vmem>>[vector<16xi32>], vector<16xf32>,
    %get3A_225 = arith.constant 7 : i32
    %get3A_226 = arith.index_cast %get3A_225 : i32 to index
    %get3A_227 = arith.constant 0 : index
    %get3A_228 = tpu.vector_load %arg5[%get3A_226, %get3A_227] {strides = array<i32>} : memref<8x32xi32, #tpu.memory_space<vmem>>, vector<16xi32>,
    %mul3A_229 = arith.constant 128 : i32
    %mul3A_230 = vector.broadcast %mul3A_229 : i32 to vector<16xi32>
    %mul3A_231 = arith.muli %get3A_228, %mul3A_230 : vector<16xi32>
    %add3A_232 = arith.constant 16384 : i32
    %add3A_233 = vector.broadcast %add3A_232 : i32 to vector<16xi32>
    %add3A_234 = arith.addi %mul3A_231, %add3A_233 : vector<16xi32>
    tpu.vector_store_idx %arg6[%add3A_234], %broadcast_in_dim3A_16 : memref<32768xf32, #tpu.memory_space<vmem>>[vector<16xi32>], vector<16xf32>,
    %add3A_235 = arith.constant 1 : i32
    %add3A_236 = vector.broadcast %add3A_235 : i32 to vector<16xi32>
    %add3A_237 = arith.addi %add3A_234, %add3A_236 : vector<16xi32>
    tpu.vector_store_idx %arg6[%add3A_237], %broadcast_in_dim3A_18 : memref<32768xf32, #tpu.memory_space<vmem>>[vector<16xi32>], vector<16xf32>,
    %get3A_238 = arith.constant 7 : i32
    %get3A_239 = arith.index_cast %get3A_238 : i32 to index
    %get3A_240 = arith.constant 16 : index
    %get3A_241 = tpu.vector_load %arg5[%get3A_239, %get3A_240] {strides = array<i32>} : memref<8x32xi32, #tpu.memory_space<vmem>>, vector<16xi32>,
    %mul3A_242 = arith.constant 128 : i32
    %mul3A_243 = vector.broadcast %mul3A_242 : i32 to vector<16xi32>
    %mul3A_244 = arith.muli %get3A_241, %mul3A_243 : vector<16xi32>
    %add3A_245 = arith.constant 16384 : i32
    %add3A_246 = vector.broadcast %add3A_245 : i32 to vector<16xi32>
    %add3A_247 = arith.addi %mul3A_244, %add3A_246 : vector<16xi32>
    tpu.vector_store_idx %arg6[%add3A_247], %broadcast_in_dim3A_16 : memref<32768xf32, #tpu.memory_space<vmem>>[vector<16xi32>], vector<16xf32>,
    %add3A_248 = arith.constant 1 : i32
    %add3A_249 = vector.broadcast %add3A_248 : i32 to vector<16xi32>
    %add3A_250 = arith.addi %add3A_247, %add3A_249 : vector<16xi32>
    tpu.vector_store_idx %arg6[%add3A_250], %broadcast_in_dim3A_18 : memref<32768xf32, #tpu.memory_space<vmem>>[vector<16xi32>], vector<16xf32>,
    %add3A_251 = arith.constant 98304 : i32
    %add3A_252 = arith.addi %mul3A_4, %add3A_251 : i32
    %dma_start3A_253 = tpu.memref_slice %arg4[%add3A_252] : memref<4194304xf32, #tpu.memory_space<hbm>> -> memref<32768xf32, #tpu.memory_space<hbm>>
    %dma_start3A_254 = tpu.memref_slice %arg4[%add3A_252] : memref<4194304xf32, #tpu.memory_space<hbm>> -> memref<32768xf32, #tpu.memory_space<hbm>>
    tpu.enqueue_dma source(%arg6 : memref<32768xf32, #tpu.memory_space<vmem>>) target(%dma_start3A_254 : memref<32768xf32, #tpu.memory_space<hbm>>) target_semaphore(%arg12 : memref<!tpu.dma_semaphore, #tpu.memory_space<semaphore_mem>>)
    %dma_wait3A_255 = tpu.memref_slice %arg4[%add3A_130] : memref<4194304xf32, #tpu.memory_space<hbm>> -> memref<32768xf32, #tpu.memory_space<hbm>>
    %dma_wait3A_256 = tpu.memref_slice %arg4[%add3A_130] : memref<4194304xf32, #tpu.memory_space<hbm>> -> memref<32768xf32, #tpu.memory_space<hbm>>
    tpu.wait_dma2 semaphore(%arg13 : memref<!tpu.dma_semaphore, #tpu.memory_space<semaphore_mem>>) src(%arg7 : memref<32768xf32, #tpu.memory_space<vmem>>) dst(%dma_wait3A_256 : memref<32768xf32, #tpu.memory_space<hbm>>)
    %dma_wait3A_257 = tpu.memref_slice %arg4[%add3A_188] : memref<4194304xf32, #tpu.memory_space<hbm>> -> memref<32768xf32, #tpu.memory_space<hbm>>
    %dma_wait3A_258 = tpu.memref_slice %arg4[%add3A_188] : memref<4194304xf32, #tpu.memory_space<hbm>> -> memref<32768xf32, #tpu.memory_space<hbm>>
    tpu.wait_dma2 semaphore(%arg14 : memref<!tpu.dma_semaphore, #tpu.memory_space<semaphore_mem>>) src(%arg8 : memref<32768xf32, #tpu.memory_space<vmem>>) dst(%dma_wait3A_258 : memref<32768xf32, #tpu.memory_space<hbm>>)
    %dma_wait3A_259 = tpu.memref_slice %arg4[%add3A_252] : memref<4194304xf32, #tpu.memory_space<hbm>> -> memref<32768xf32, #tpu.memory_space<hbm>>
    %dma_wait3A_260 = tpu.memref_slice %arg4[%add3A_252] : memref<4194304xf32, #tpu.memory_space<hbm>> -> memref<32768xf32, #tpu.memory_space<hbm>>
    tpu.wait_dma2 semaphore(%arg12 : memref<!tpu.dma_semaphore, #tpu.memory_space<semaphore_mem>>) src(%arg6 : memref<32768xf32, #tpu.memory_space<vmem>>) dst(%dma_wait3A_260 : memref<32768xf32, #tpu.memory_space<hbm>>)
    return
  }
}

</mosaic_0001>

<sc_bundles>
// kernel: kernel.3.cloned.1.call-start
scs
__scs_entry_jumppad:
0x0: {  	(pc) =	sbr.rel $0x88, $3  }
0x1: {  	(tag) =	ssettag $0x0;
	lr =	simm.s32 $0x1  }
0x2: {  	[smem:$0x3F9F] =	sst lr;
	_ =	strace $0xD0000000  }
0x3: {  	_ = 	snop  }
0x4: {  	_ = 	snop  }
0x5: {  	_ = 	snop  }
0x6: {  	_ = 	snop  }
0x7: {  	_ = 	snop  }
__scs_overlays_trampoline_lowered:
0x8: {  	[smem:$0x3FAE] =	sst s0  }
0x9: {  	[smem:$0x3FAF] =	sst s1  }
0xa: {  	[smem:$0x3FB0] =	sst s2  }
0xb: {  	[smem:$0x3FB1] =	sst s3  }
0xc: {  	[smem:$0x3FB2] =	sst s4  }
0xd: {  	[smem:$0x3FB3] =	sst s5  }
0xe: {  	[smem:$0x3FB4] =	sst s6  }
0xf: {  	[smem:$0x3FB5] =	sst s7  }
0x10: {  	[smem:$0x3FB6] =	sst s8  }
0x11: {  	[smem:$0x3FB7] =	sst s9;
	s0 =	simm.s32 @!p0 $0x0  }
0x12: {  	s1 =	sld [smem:$0x3F9D];
	s0 =	simm.s32 @p0 $0x1  }
0x13: {  	[smem:$0x3FB8] =	sst s0;
	s0 =	simm.s32 @!p1 $0x0  }
0x14: {  	s2 =	sld [smem:$0x3F9C];
	s0 =	simm.s32 @p1 $0x1  }
0x15: {  	[smem:$0x3FB9] =	sst s0;
	s0 =	simm.s32 @!p2 $0x0  }
0x16: {  	s3 =	sld [smem:$0x3FDB];
	s0 =	simm.s32 @p2 $0x1  }
0x17: {  	s4 =	simm.s32 $0x1BF5;
	[smem:$0x3FBB] =	sst s0  }
0x18: {  	s0 =	sld [smem:$0x3F9E];
	_ =	swait.ge [sflag:s4], $0x0  }
0x19: {  	s7 =	sld [smem:$0x3F9F]  }
0x1a: {  	s8 =	sadd.s32 $0xFFFFE003, lr  }
0x1b: {  	s9 =	sadd.s32 $0xFFFFFEF7, lr;
	s5 =	simm.s32 $0xFFFFFFFF;
	p2 =	slt.u32 s8, $0xFFFFF086  }
0x1c: {  	p1 =	slt.u32 s9, $0xF7A;
	s5 =	simm.s32 @!p2 $0x0  }
0x1d: {  	s5 =	simm.s32 @p1 $0x1;
	p0 =	seq.s32 s7, s2  }
0x1e: {  	s7 =	smul.u32 @!p0 $0xF7A, s2;
	p2 =	seq.s32 @!p0 s5, $0x0  }
0x1f: {  	s9 =	smul.u32 $0xF7A, s1;
	s8 =	simm.s32 @!p0 $0x1BF5;
	p2 =	por !p2, p0  }
0x20: {  	[sflag:s8] =	ssyncset.s32 @!p0 $0xFFFFF086;
	s6 =	sadd.s32 @!p0 s3, s7;
	s7 =	simm.s32 @!p0 $0x108  }
0x21: {  	s3 =	sadd.s32 s3, s9;
	s6 =	sadd.s32 @!p0 $0x88, s6;
	s7 =	simm.s32 @p2 $0x1082  }
0x22: {  	[simem:s7], [sflag:s8] =	dma.local @!p0 [hbm:s6], $0xF7A  }
0x23: {  	s9 =	sor.u32 $0xD0000000, s2;
	s6 =	simm.s32 $0x108;
	_ =	swait.ge @!p0 [sflag:s8], $0x0  }
0x24: {  	s3 =	sadd.s32 $0x88, s3;
	s6 =	simm.s32 @!p1 $0x1082;
	[sflag:s4] =	ssyncset.s32 $0xFFFFF086  }
0x25: {  	[simem:s6], [sflag:s4] =	dma.local [hbm:s3], $0xF7A  }
0x26: {  	[smem:$0x3F9F] =	sst s1;
	(tag) =	ssettag s2;
	_ =	strace s9  }
0x27: {  	s1 =	sld [smem:$0x3FAF]  }
0x28: {  	s2 =	sld [smem:$0x3FB0]  }
0x29: {  	s4 =	sld [smem:$0x3FB2]  }
0x2a: {  	p0 =	seq.s32 s5, $0x0;
	s5 =	sld [smem:$0x3FB3]  }
0x2b: {  	s6 =	sld [smem:$0x3FB4]  }
0x2c: {  	s7 =	sld [smem:$0x3FB5]  }
0x2d: {  	s3 =	simm.s32 $0x108;
	s8 =	sld [smem:$0x3FB6]  }
0x2e: {  	s3 =	simm.s32 @!p0 $0x1082;
	s9 =	sld [smem:$0x3FB7]  }
0x2f: {  	lr =	sadd.s32 s0, s3;
	s0 =	sld [smem:$0x3FAE]  }
0x30: {  	s3 =	sld [smem:$0x3FB1]  }
0x31: {  	[smem:$0x3FBA] =	sst s10  }
0x32: {  	s10 =	sld [smem:$0x3FB8];
	_ =	sdelay $0x3  }
0x33: {  	p0 =	seq.s32 s10, $0x1;
	s10 =	sld [smem:$0x3FBA];
	_ =	sdelay $0x3  }
0x34: {  	[smem:$0x3FBA] =	sst s10  }
0x35: {  	s10 =	sld [smem:$0x3FB9];
	_ =	sdelay $0x3  }
0x36: {  	p1 =	seq.s32 s10, $0x1;
	s10 =	sld [smem:$0x3FBA];
	_ =	sdelay $0x3  }
0x37: {  	[smem:$0x3FBA] =	sst s10  }
0x38: {  	s10 =	sld [smem:$0x3FBB]  }
0x39: {  	_ = 	snop;
	(pc) =	sbr.ind lr, $3  }
0x3a: {  	_ = 	snop  }
0x3b: {  	_ = 	snop  }
0x3c: {  	p2 =	seq.s32 s10, $0x1;
	s10 =	sld [smem:$0x3FBA]  }
0x3d: {  	_ =	shalt  }
0x3e: {  	_ =	shalt  }
0x3f: {  	_ =	shalt  }
0x40: {  	_ =	shalt  }
0x41: {  	_ =	shalt  }
0x42: {  	_ =	shalt  }
0x43: {  	_ =	shalt  }
0x44: {  	_ =	shalt  }
0x45: {  	_ =	shalt  }
0x46: {  	_ =	shalt  }
0x47: {  	_ =	shalt  }
0x48: {  	_ =	shalt  }
0x49: {  	_ =	shalt  }
0x4a: {  	_ =	shalt  }
0x4b: {  	_ =	shalt  }
0x4c: {  	_ =	shalt  }
0x4d: {  	_ =	shalt  }
0x4e: {  	_ =	shalt  }
0x4f: {  	_ =	shalt  }
0x50: {  	_ =	shalt  }
0x51: {  	_ =	shalt  }
0x52: {  	_ =	shalt  }
0x53: {  	_ =	shalt  }
0x54: {  	_ =	shalt  }
0x55: {  	_ =	shalt  }
0x56: {  	_ =	shalt  }
0x57: {  	_ =	shalt  }
0x58: {  	_ =	shalt  }
0x59: {  	_ =	shalt  }
0x5a: {  	_ =	shalt  }
0x5b: {  	_ =	shalt  }
0x5c: {  	_ =	shalt  }
0x5d: {  	_ =	shalt  }
0x5e: {  	_ =	shalt  }
0x5f: {  	_ =	shalt  }
0x60: {  	_ =	shalt  }
0x61: {  	_ =	shalt  }
0x62: {  	_ =	shalt  }
0x63: {  	_ =	shalt  }
0x64: {  	_ =	shalt  }
0x65: {  	_ =	shalt  }
0x66: {  	_ =	shalt  }
0x67: {  	_ =	shalt  }
0x68: {  	_ =	shalt  }
0x69: {  	_ =	shalt  }
0x6a: {  	_ =	shalt  }
0x6b: {  	_ =	shalt  }
0x6c: {  	_ =	shalt  }
0x6d: {  	_ =	shalt  }
0x6e: {  	_ =	shalt  }
0x6f: {  	_ =	shalt  }
0x70: {  	_ =	shalt  }
0x71: {  	_ =	shalt  }
0x72: {  	_ =	shalt  }
0x73: {  	_ =	shalt  }
0x74: {  	_ =	shalt  }
0x75: {  	_ =	shalt  }
0x76: {  	_ =	shalt  }
0x77: {  	_ =	shalt  }
0x78: {  	_ =	shalt  }
0x79: {  	_ =	shalt  }
0x7a: {  	_ =	shalt  }
0x7b: {  	_ =	shalt  }
0x7c: {  	_ =	shalt  }
0x7d: {  	_ =	shalt  }
0x7e: {  	_ =	shalt  }
0x7f: {  	_ =	shalt  }
0x80: {  	_ =	shalt  }
0x81: {  	_ =	shalt  }
0x82: {  	_ =	shalt  }
0x83: {  	_ =	shalt  }
0x84: {  	_ =	shalt  }
0x85: {  	_ =	shalt  }
0x86: {  	_ =	shalt  }
0x87: {  	_ =	shalt  }
.Lfunc_end0:
.L_simem_size_0:
called_computation_lowered:
.L_overlay_start_0:
0x88: {  	s2 =	sld [smem:$0x3FD9]  }
0x89: {  	s3 =	sld [smem:$0x3FFE];
	_ =	sdelay $0x1  }
0x8a: {  	s1 =	srdreg.scid  }
0x8b: {  	s0 =	sand.u32 $0x1, s1  }
0x8c: {  	s17 =	sshll.u32 s0, $0xA;
	s2 =	sadd.s32 s3, s2  }
0x8d: {  	s2 =	sadd.s32 s2, s17  }
0x8e: {  	[smem:$0x3FC6] =	sst s2  }
0x8f: {  	_ = 	snop  }
0x90: {  	s2 =	sld [smem:$0x3FC9]  }
0x91: {  	s18 =	sld [smem:$0x3FD0];
	(tm) =	ssettm $0x1  }
0x92: {  	s4 =	sld [smem:$0x3FFB];
	_ =	sdelay $0x3  }
0x93: {  	_ =	strace s4  }
0x94: {  	s4 =	sld [smem:$0x3FFC];
	_ =	sdelay $0x3  }
0x95: {  	_ =	strace s4  }
0x96: {  	s4 =	sld [smem:$0x3FFD];
	_ =	sdelay $0x3  }
0x97: {  	_ =	strace s4  }
0x98: {  	_ =	strace $0x8FFFFFFF  }
0x99: {  	s19 =	sld [smem:$0x3FDB];
	_ =	sdelay $0x1  }
0x9a: {  	s5 =	simm.s32 $_scs_section_size  }
0x9b: {  	s6 =	simm.s32 $_size__tile_overlayer_lowered;
	s7 =	simm.s32 $_tile_overlayer_lowered  }
0x9c: {  	s22 =	simm.s32 $0x1BFF;
	s21 =	sshll.u32 s7, $0x1;
	s4 =	sadd.s32 s5, s19  }
0x9d: {  	s8 =	simm.s32 $0x0;
	s20 =	sshll.u32 s6, $0x1;
	s6 =	sadd.s32 s21, s4  }
0x9e: {  	[timem:s8], [sflag:s22] =	dma.local [hbm:s6], s20  }
0x9f: {  	_ =	swait.ge [sflag:s22], s20  }
0xa0: {  	s5 =	ssub.s32 $0x0, s20;
	[sflag:s22] =	ssyncset.done $0x0  }
0xa1: {  	[sflag:s22] =	ssyncadd.s32 s5;
	_ =	sdelay $0x1  }
0xa2: {  	s23 =	simm.s32 $0x1B8B  }
0xa3: {  	_ =	swait.ge [sflag:s23], $0x1  }
0xa4: {  	[sflag:s23] =	ssyncset.done $0x0  }
0xa5: {  	s25 =	simm.s32 $0x1B8E;
	s24 =	sld [smem:$0x3FFE];
	[sflag:s23] =	ssyncadd.s32 $0xFFFFFFFF  }
0xa6: {  	s26 =	simm.s32 $execute0_lowered;
	[smem:$0x3FD2] =	sst s25  }
0xa7: {  	s6 =	sshll.u32 s26, $0x1;
	_ =	strace $0x80000046;
	[dreg:$0x1] =	wrdreg $0xFFFFFFFF  }
0xa8: {  	s28 =	simm.s32 $_size_execute0_lowered;
	s4 =	sadd.s32 s4, s6;
	[dreg:$0x0] =	wrdreg $0x0  }
0xa9: {  	s6 =	sshll.u32 s28, $0x1;
	[dreg:$0x2] =	wrdreg s4  }
0xaa: {  	[dreg:$0x3] =	wrdreg s6  }
0xab: {  	[dreg:$0x4] =	wrdreg $0xC0  }
0xac: {  	_ =	task [dreg:s8], $0x5FFFF  }
0xad: {  	[dreg:$0x1] =	wrdreg $0xFFFFFFFF  }
0xae: {  	[dreg:$0x0] =	wrdreg $0x60  }
0xaf: {  	[dreg:$0x2] =	wrdreg s2  }
0xb0: {  	[dreg:$0x3] =	wrdreg s24  }
0xb1: {  	[dreg:$0x4] =	wrdreg s18  }
0xb2: {  	[dreg:$0x5] =	wrdreg $0x9  }
0xb3: {  	_ =	task.clear_ibuf [dreg:s8], $0x6FFFF;
	_ =	strace $0x90000046  }
0xb4: {  	s29 =	simm.s32 $0x9;
	_ =	strace $0x80000048  }
0xb5: {  	_ =	swait.ge [sflag:s29], $0x1  }
0xb6: {  	[sflag:s29] =	ssyncadd.s32 $0xFFFFFFFF  }
0xb7: {  	_ =	strace $0x90000048  }
0xb8: {  	_ =	sfence  }
0xb9: {  	s30 =	sld [smem:$0x0];
	_ =	sdelay $0x2  }
0xba: {  	s31 =	sshll.u32 s1, $0xD;
	s1 =	sshrl.u32 s1, $0x2  }
0xbb: {  	s3 =	sand.u32 $0x4000, s31;
	s1 =	sadd.s32 s1, s30  }
0xbc: {  	s0 =	sor.u32 s3, s0;
	s1 =	sshll.u32 s1, $0x11  }
0xbd: {  	s0 =	sor.u32 s1, s0  }
0xbe: {  	s0 =	sadd.s32 $0x8F2B, s0  }
0xbf: {  	[sflag:s0] =	ssyncadd.remote.s32 $0x1  }
0xc0: {  	_ =	sfence.sel $0xFFFF  }
0xc1: {  	[dreg:$0x0] =	wrdreg $0xFFFFFFFF;
	(pc) =	sbr.abs _section_cstart, $3  }
0xc2: {  	[dreg:$0x1] =	wrdreg $0xFFFFFFFF  }
0xc3: {  	_ =	task.clear_ibuf [dreg:s8], $0x2FFFF;
	_ =	strace $0x9FFFFFFF  }
0xc4: {  	(tm) =	ssettm $0x7FFFFFFF  }
0xc5: {  	_ =	shalt  }
tec
execute0_lowered:
.L_overlay_start_1:
0x0: {  	(tag) =	ssettag $0x1  }
0x1: {  	s10 =	rddreg [dreg:$0x0]  }
0x2: {  	s3 =	rddreg [dreg:$0x1]  }
0x3: {  	s11 =	rddreg [dreg:$0x2]  }
0x4: {  	s0 =	rddreg [dreg:$0x3];
	s4 =	srdreg.scid  }
0x5: {  	s1 =	stileid.u32;
	s2 =	simm.s32 $0x0;
	s15 =	simm.s32 $0x10400  }
0x6: {  	s16 =	simm.s32 $0x7;
	s17 =	simm.s32 $0x1;
	s18 =	simm.s32 $0x2  }
0x7: {  	s19 =	simm.s32 $0x3;
	s20 =	simm.s32 $0x4;
	s21 =	simm.s32 $0x5  }
0x8: {  	s22 =	simm.s32 $0x6;
	s4 =	sand.u32 $0x1, s4;
	s5 =	sshll.u32 s1, $0x1  }
0x9: {  	[smem:$0x7FF] =	sst s2;
	s5 =	sor.u32 s4, s5;
	s4 =	ssub.s32 $0x2, s4  }
0xa: {  	_ =	strace $0x80000047;
	s6 =	sshll.u32 s5, $0x7;
	s31 =	sshrl.u32 s4, $0x1  }
0xb: {  	s8 =	sshll.u32 s5, $0xE;
	s6 =	sadd.s32 s6, s3;
	s12 =	ssub.s32 s4, s31  }
0xc: {  	s9 =	sor.u32 $0x1000, s8;
	s13 =	sor.u32 $0x2000, s8;
	s3 =	sadd.s32 s10, s8  }
0xd: {  	s7 =	sadd.s32 s11, s8;
	s14 =	sor.u32 $0x3000, s8;
	s4 =	sadd.s32 s10, s9  }
0xe: {  	s5 =	sadd.s32 s10, s13;
	s6 =	sadd.s32 $0x400, s6;
	s8 =	sadd.s32 s11, s9  }
0xf: {  	s9 =	sadd.s32 s11, s13;
	s10 =	sadd.s32 s10, s14;
	s11 =	sadd.s32 s11, s14  }
0x10: {  	v0 =	vimm.f32 $1.190000000e+02;
	v1 =	vimm.f32 $0.0e+00;
	s12 =	smax.u32 s12, $0x1;
	s13 =	simm.s32 $0x400;
	s14 =	simm.s32 $0x8400  }
.LBB2_1:
0x11: {  	[tilespmem:s13], [sflag:$0x1] =	stream.linear.gather [hbm4b:s3+s2], $0x8000, $0x38;
	[tilespmem:$0x18400] =	vst v63  }
0x12: {  	_ = 	snop  }
0x13: {  	[tilespmem:s14], [sflag:$0x2] =	stream.linear.gather [hbm4b:s4+s2], $0x8000, $0x38;
	[tilespmem:$0x18400] =	vst v63  }
0x14: {  	_ = 	snop  }
0x15: {  	[tilespmem:s15], [sflag:$0x3] =	stream.linear.gather [hbm4b:s5+s2], $0x8000, $0x38;
	[tilespmem:$0x18400] =	vst v63  }
0x16: {  	_ = 	snop  }
0x17: {  	[tilespmem:s2], [sflag:$0x7] =	stream.linear.gather [hbm4b:s6+s2], $0x400, $0x38;
	[tilespmem:$0x18400] =	vst v63  }
0x18: {  	_ =	swait.ge [sflag:s16], $0x400  }
0x19: {  	[sflag:s16] =	ssyncset.done $0x0  }
0x1a: {  	[sflag:s16] =	ssyncadd.s32 $0xFFFFFC00  }
0x1b: {  	_ =	swait.ge [sflag:s17], $0x8000  }
0x1c: {  	[sflag:s17] =	ssyncset.done $0x0  }
0x1d: {  	[sflag:s17] =	ssyncadd.s32 $0xFFFF8000  }
0x1e: {  	v2 =	vld [tilespmem:$0x0];
	_ =	sdelay $0x4  }
0x1f: {  	v2 =	vshll.u32 v2, $0x7  }
0x20: {  	v3 =	vor.u32 $0x1, v2;
	_ =	sdelay $0x3  }
0x21: {  	[tilespmem:v2+s13+$0x0] =	vst.idx.msk $0xffff, v0  }
0x22: {  	[tilespmem:v3+s13+$0x0] =	vst.idx.msk $0xffff, v1  }
0x23: {  	v2 =	vld [tilespmem:$0x10];
	_ =	sdelay $0x4  }
0x24: {  	v2 =	vshll.u32 v2, $0x7  }
0x25: {  	v3 =	vor.u32 $0x1, v2;
	_ =	sdelay $0x3  }
0x26: {  	[tilespmem:v2+s13+$0x0] =	vst.idx.msk $0xffff, v0  }
0x27: {  	[tilespmem:v3+s13+$0x0] =	vst.idx.msk $0xffff, v1  }
0x28: {  	v2 =	vld [tilespmem:$0x80];
	_ =	sdelay $0x4  }
0x29: {  	v2 =	vshll.u32 v2, $0x7  }
0x2a: {  	v3 =	vadd.s32 $0x4000, v2  }
0x2b: {  	v2 =	vadd.s32 $0x4001, v2;
	_ =	sdelay $0x3  }
0x2c: {  	[tilespmem:v3+s13+$0x0] =	vst.idx.msk $0xffff, v0  }
0x2d: {  	[tilespmem:v2+s13+$0x0] =	vst.idx.msk $0xffff, v1  }
0x2e: {  	v2 =	vld [tilespmem:$0x90];
	_ =	sdelay $0x4  }
0x2f: {  	v2 =	vshll.u32 v2, $0x7  }
0x30: {  	v3 =	vadd.s32 $0x4000, v2  }
0x31: {  	v2 =	vadd.s32 $0x4001, v2;
	_ =	sdelay $0x3  }
0x32: {  	[tilespmem:v3+s13+$0x0] =	vst.idx.msk $0xffff, v0  }
0x33: {  	[tilespmem:v2+s13+$0x0] =	vst.idx.msk $0xffff, v1  }
0x34: {  	[hbm4b:s7+s2] =	stream.linear.scatter [tilespmem:s13], [sflag:$0x4], $0x8000, $0x38;
	[tilespmem:$0x18400] =	vst v63  }
0x35: {  	_ =	swait.ge [sflag:s18], $0x8000  }
0x36: {  	[sflag:s18] =	ssyncset.done $0x0  }
0x37: {  	[sflag:s18] =	ssyncadd.s32 $0xFFFF8000  }
0x38: {  	v2 =	vld [tilespmem:$0x100];
	_ =	sdelay $0x4  }
0x39: {  	v2 =	vshll.u32 v2, $0x7  }
0x3a: {  	v3 =	vor.u32 $0x1, v2;
	_ =	sdelay $0x3  }
0x3b: {  	[tilespmem:v2+s14+$0x0] =	vst.idx.msk $0xffff, v0  }
0x3c: {  	[tilespmem:v3+s14+$0x0] =	vst.idx.msk $0xffff, v1  }
0x3d: {  	v2 =	vld [tilespmem:$0x110];
	_ =	sdelay $0x4  }
0x3e: {  	v2 =	vshll.u32 v2, $0x7  }
0x3f: {  	v3 =	vor.u32 $0x1, v2;
	_ =	sdelay $0x3  }
0x40: {  	[tilespmem:v2+s14+$0x0] =	vst.idx.msk $0xffff, v0  }
0x41: {  	[tilespmem:v3+s14+$0x0] =	vst.idx.msk $0xffff, v1  }
0x42: {  	v2 =	vld [tilespmem:$0x180];
	_ =	sdelay $0x4  }
0x43: {  	v2 =	vshll.u32 v2, $0x7  }
0x44: {  	v3 =	vadd.s32 $0x4000, v2  }
0x45: {  	v2 =	vadd.s32 $0x4001, v2;
	_ =	sdelay $0x3  }
0x46: {  	[tilespmem:v3+s14+$0x0] =	vst.idx.msk $0xffff, v0  }
0x47: {  	[tilespmem:v2+s14+$0x0] =	vst.idx.msk $0xffff, v1  }
0x48: {  	v2 =	vld [tilespmem:$0x190];
	_ =	sdelay $0x4  }
0x49: {  	v2 =	vshll.u32 v2, $0x7  }
0x4a: {  	v3 =	vadd.s32 $0x4000, v2  }
0x4b: {  	v2 =	vadd.s32 $0x4001, v2;
	_ =	sdelay $0x3  }
0x4c: {  	[tilespmem:v3+s14+$0x0] =	vst.idx.msk $0xffff, v0  }
0x4d: {  	[tilespmem:v2+s14+$0x0] =	vst.idx.msk $0xffff, v1  }
0x4e: {  	[hbm4b:s8+s2] =	stream.linear.scatter [tilespmem:s14], [sflag:$0x5], $0x8000, $0x38;
	[tilespmem:$0x18400] =	vst v63  }
0x4f: {  	_ =	swait.ge [sflag:s19], $0x8000  }
0x50: {  	[sflag:s19] =	ssyncset.done $0x0  }
0x51: {  	[sflag:s19] =	ssyncadd.s32 $0xFFFF8000  }
0x52: {  	v2 =	vld [tilespmem:$0x200];
	_ =	sdelay $0x4  }
0x53: {  	v2 =	vshll.u32 v2, $0x7  }
0x54: {  	v3 =	vor.u32 $0x1, v2;
	_ =	sdelay $0x3  }
0x55: {  	[tilespmem:v2+s15+$0x0] =	vst.idx.msk $0xffff, v0  }
0x56: {  	[tilespmem:v3+s15+$0x0] =	vst.idx.msk $0xffff, v1  }
0x57: {  	v2 =	vld [tilespmem:$0x210];
	_ =	sdelay $0x4  }
0x58: {  	v2 =	vshll.u32 v2, $0x7  }
0x59: {  	v3 =	vor.u32 $0x1, v2;
	_ =	sdelay $0x3  }
0x5a: {  	[tilespmem:v2+s15+$0x0] =	vst.idx.msk $0xffff, v0  }
0x5b: {  	[tilespmem:v3+s15+$0x0] =	vst.idx.msk $0xffff, v1  }
0x5c: {  	v2 =	vld [tilespmem:$0x280];
	_ =	sdelay $0x4  }
0x5d: {  	v2 =	vshll.u32 v2, $0x7  }
0x5e: {  	v3 =	vadd.s32 $0x4000, v2  }
0x5f: {  	v2 =	vadd.s32 $0x4001, v2;
	_ =	sdelay $0x3  }
0x60: {  	[tilespmem:v3+s15+$0x0] =	vst.idx.msk $0xffff, v0  }
0x61: {  	[tilespmem:v2+s15+$0x0] =	vst.idx.msk $0xffff, v1  }
0x62: {  	v2 =	vld [tilespmem:$0x290];
	_ =	sdelay $0x4  }
0x63: {  	v2 =	vshll.u32 v2, $0x7  }
0x64: {  	v3 =	vadd.s32 $0x4000, v2  }
0x65: {  	v2 =	vadd.s32 $0x4001, v2;
	_ =	sdelay $0x3  }
0x66: {  	[tilespmem:v3+s15+$0x0] =	vst.idx.msk $0xffff, v0  }
0x67: {  	[tilespmem:v2+s15+$0x0] =	vst.idx.msk $0xffff, v1  }
0x68: {  	[hbm4b:s9+s2] =	stream.linear.scatter [tilespmem:s15], [sflag:$0x6], $0x8000, $0x38;
	[tilespmem:$0x18400] =	vst v63  }
0x69: {  	_ =	swait.ge [sflag:s20], $0x8000  }
0x6a: {  	[sflag:s20] =	ssyncset.done $0x0  }
0x6b: {  	[sflag:s20] =	ssyncadd.s32 $0xFFFF8000  }
0x6c: {  	[tilespmem:s13], [sflag:$0x1] =	stream.linear.gather [hbm4b:s10+s2], $0x8000, $0x38;
	[tilespmem:$0x18400] =	vst v63  }
0x6d: {  	_ =	swait.ge [sflag:s17], $0x8000  }
0x6e: {  	[sflag:s17] =	ssyncset.done $0x0  }
0x6f: {  	[sflag:s17] =	ssyncadd.s32 $0xFFFF8000  }
0x70: {  	v2 =	vld [tilespmem:$0x300];
	_ =	sdelay $0x4  }
0x71: {  	v2 =	vshll.u32 v2, $0x7  }
0x72: {  	v3 =	vor.u32 $0x1, v2;
	_ =	sdelay $0x3  }
0x73: {  	[tilespmem:v2+s13+$0x0] =	vst.idx.msk $0xffff, v0  }
0x74: {  	[tilespmem:v3+s13+$0x0] =	vst.idx.msk $0xffff, v1  }
0x75: {  	v2 =	vld [tilespmem:$0x310];
	_ =	sdelay $0x4  }
0x76: {  	v2 =	vshll.u32 v2, $0x7  }
0x77: {  	v3 =	vor.u32 $0x1, v2;
	_ =	sdelay $0x3  }
0x78: {  	[tilespmem:v2+s13+$0x0] =	vst.idx.msk $0xffff, v0  }
0x79: {  	[tilespmem:v3+s13+$0x0] =	vst.idx.msk $0xffff, v1  }
0x7a: {  	v2 =	vld [tilespmem:$0x380];
	_ =	sdelay $0x4  }
0x7b: {  	v2 =	vshll.u32 v2, $0x7  }
0x7c: {  	v3 =	vadd.s32 $0x4000, v2  }
0x7d: {  	v2 =	vadd.s32 $0x4001, v2;
	_ =	sdelay $0x3  }
0x7e: {  	[tilespmem:v3+s13+$0x0] =	vst.idx.msk $0xffff, v0  }
0x7f: {  	[tilespmem:v2+s13+$0x0] =	vst.idx.msk $0xffff, v1  }
0x80: {  	v2 =	vld [tilespmem:$0x390];
	_ =	sdelay $0x4  }
0x81: {  	v2 =	vshll.u32 v2, $0x7  }
0x82: {  	v3 =	vadd.s32 $0x4000, v2  }
0x83: {  	v2 =	vadd.s32 $0x4001, v2;
	_ =	sdelay $0x3  }
0x84: {  	[tilespmem:v3+s13+$0x0] =	vst.idx.msk $0xffff, v0  }
0x85: {  	[tilespmem:v2+s13+$0x0] =	vst.idx.msk $0xffff, v1  }
0x86: {  	[hbm4b:s11+s2] =	stream.linear.scatter [tilespmem:s13], [sflag:$0x4], $0x8000, $0x38;
	[tilespmem:$0x18400] =	vst v63  }
0x87: {  	_ =	swait.ge [sflag:s21], $0x8000  }
0x88: {  	[sflag:s21] =	ssyncset.done $0x0  }
0x89: {  	[sflag:s21] =	ssyncadd.s32 $0xFFFF8000  }
0x8a: {  	p0 =	sne.s32 s12, $0x1;
	_ =	swait.ge [sflag:s22], $0x8000  }
.Ltmp0:
0x8b: {  	[sflag:s22] =	ssyncset.done $0x0;
	(pc) =	sbr.rel @p0 .LBB2_1-.Ltmp0, $4  }
0x8c: {  	[sflag:s22] =	ssyncadd.s32 $0xFFFF8000  }
0x8d: {  	_ =	swait.ge [sflag:s20], $0x8000  }
0x8e: {  	[sflag:s20] =	ssyncset.done $0x0  }
0x8f: {  	s12 =	sadd.s32 $0xFFFFFFFF, s12;
	[sflag:s20] =	ssyncadd.s32 $0xFFFF8000  }
0x90: {  	_ =	sfence.sel $0x180000  }
0x91: {  	[bflag:$0x0] =	sbarrier.arrive $0xFFFF  }
0x92: {  	p0 =	sne.s32 s1, $0x0;
	_ =	strace $0x90000047  }
0x93: {  	s0 =	sadd.s32 @!p0 $0x100000, s0;
	[bflag:$0x2] =	sbarrier.arrive $0xFFFF  }
0x94: {  	[sflag:s0] =	ssyncadd.tile.s32 @!p0 $0x1;
	_ =	shalt  }
.Lfunc_end2:
_tile_overlayer_lowered:
.L_overlay_start_2:
0x95: {  	(tag) =	ssettag $0x2  }
0x96: {  	s0 =	rddreg [dreg:$0x0];
	s2 =	stileid.u32  }
0x97: {  	s1 =	rddreg [dreg:$0x1];
	p0 =	sne.s32 s2, $0x0  }
0x98: {  	s3 =	rddreg [dreg:$0x2];
	[bflag:$0x3] =	sbarrier.arrive $0xFFFF;
	s2 =	simm.s32 @!p0 $0x1C07  }
0x99: {  	[timem:s3], [sflag:s2] =	dma.local @!p0 [hbm:s0], s1  }
0x9a: {  	s0 =	simm.s32 @!p0 $0x7  }
0x9b: {  	_ =	swait.ge @!p0 [sflag:s0], s1  }
0x9c: {  	s1 =	ssub.s32 @!p0 $0x0, s1;
	[sflag:s0] =	ssyncset.done @!p0 $0x0  }
0x9d: {  	[sflag:s0] =	ssyncadd.s32 @!p0 s1  }
0x9e: {  	[bflag:$0x3] =	sbarrier.arrive $0xFFFF  }
0x9f: {  	_ =	shalt  }

</sc_bundles>
